<compile_context>
chip_gen: v7x
topology: tpu7x:2x2x1
jax: 0.10.2.dev20260603
libtpu: 0.0.44.dev20260713+nightly
codegen_flags: <defaults>
</compile_context>

<pallas_src>
import functools

import jax
import jax.numpy as jnp
from jax import lax
from jax.experimental import pallas as pl
from jax.experimental.pallas import tpu as pltpu
from jax.experimental.pallas import tpu_sc as plsc

_NW = 32
_TILE = 1024
_CHUNK_TILES = 16
_CHUNK = _CHUNK_TILES * _TILE


def _swap_bits(q, a, b):
    x = ((q >> a) ^ (q >> b)) & 1
    return q ^ ((x << a) | (x << b))


def _chunk_perm():
    p = jnp.arange(_CHUNK, dtype=jnp.int32)
    q = p & (_TILE - 1)
    for a, b in ((9, 5), (8, 6), (4, 0), (3, 1)):
        q = _swap_bits(q, a, b)
    return (p & ~(_TILE - 1)) | q


def _sc_body(x_hbm, perm_hbm, out_hbm, perm_v, in_v, out_v):
    c = lax.axis_index("c")
    s = lax.axis_index("s")
    wid = s * 2 + c
    base = wid * (16384 // _NW) * _TILE
    pltpu.sync_copy(perm_hbm, perm_v)

    def chunk_body(k, carry):
        off = base + k * _CHUNK
        pltpu.sync_copy(x_hbm.at[pl.ds(off, _CHUNK)], in_v)

        @plsc.parallel_loop(0, _CHUNK // 16, unroll=8)
        def grp(i):
            idx = perm_v[pl.ds(i * 16, 16)]
            out_v[pl.ds(i * 16, 16)] = plsc.load_gather(in_v, [idx])
        pltpu.sync_copy(out_v, out_hbm.at[pl.ds(off, _CHUNK)])
        return carry

    lax.fori_loop(0, (16384 // _NW) // _CHUNK_TILES, chunk_body, 0)


def kernel(tensor):
    n, r, c = tensor.shape
    xf = tensor.reshape(n * r * c)
    perm = _chunk_perm()
    mesh = plsc.VectorSubcoreMesh(core_axis_name="c", subcore_axis_name="s")
    kfn = functools.partial(
        pl.kernel,
        out_type=jax.ShapeDtypeStruct((n * r * c,), tensor.dtype),
        mesh=mesh,
        scratch_types=[
            pltpu.VMEM((_CHUNK,), jnp.int32),
            pltpu.VMEM((_CHUNK,), jnp.float32),
            pltpu.VMEM((_CHUNK,), jnp.float32),
        ],
        compiler_params=pltpu.CompilerParams(needs_layout_passes=False),
    )(_sc_body)
    out = kfn(xf, perm)
    return out.reshape(n, r, c)

# --- scband reference (transcript-rebuilt; emitter-appended) ---
"""Pipeline reference for scband-row-col-permute-12378095747496 (READ-ONLY COPY).

The authoritative reference and input builder live on the scoring server;
editing this copy changes nothing except your own understanding.
"""

import jax, jax.numpy as jnp
import numpy as np
import math

def bitreversal_permutation(n):
    log_n = int(math.log2(n))
    assert n == 1 << log_n, 'n must be a power of 2'
    perm = np.arange(n).reshape(n, 1)
    for i in range(log_n):
        n1 = perm.shape[0] // 2
        perm = np.hstack((perm[:n1], perm[n1:]))
    perm = perm.squeeze(0)
    return jnp.asarray(perm)

def setup_inputs(seed: int = 0):
    key = jax.random.key(seed)
    tensor = jax.random.normal(key, (16384, 32, 32), dtype=jnp.float32)
    return {"tensor": tensor}

def reference(tensor):
    rowperm = bitreversal_permutation(32)
    colperm = bitreversal_permutation(32)
    # tensor[:, rowperm][:, :, colperm] -> gather along dim 1 then dim 2
    out = jnp.take(tensor, rowperm, axis=1)
    out = jnp.take(out, colperm, axis=2)
    return out

if __name__ == "__main__":
    import jax
    _d = setup_inputs()
    print(jax.jit(kernel)(*tuple(_d.values())))

</pallas_src>

<mosaic_0001>
#map = affine_map<(d0, d1) -> (0)>
module attributes {stable_mosaic.version = 14 : i64} {
  func.func @_sc_body(%arg0: i32, %arg1: i32, %arg2: memref<16777216xf32, #tpu.memory_space<hbm>>, %arg3: memref<16384xi32, #tpu.memory_space<hbm>>, %arg4: memref<16777216xf32, #tpu.memory_space<hbm>>, %arg5: memref<16384xi32, #tpu.memory_space<vmem>>, %arg6: memref<16384xf32, #tpu.memory_space<vmem>>, %arg7: memref<16384xf32, #tpu.memory_space<vmem>>) attributes {dimension_semantics = [#tpu.dimension_semantics<core_parallel>, #tpu.dimension_semantics<subcore_parallel>], iteration_bounds = array<i64: 2, 16>, scalar_prefetch = 0 : i64, scratch_operands = 3 : i64, tpu.core_type = #tpu.core_type<sc_vector_subcore>, window_params = [{transform_indices = #map}, {transform_indices = #map}, {transform_indices = #map}]} {
    %mul3A = arith.constant 2 : i32
    %mul3A_0 = arith.muli %arg1, %mul3A : i32
    %add3A = arith.addi %mul3A_0, %arg0 : i32
    %mul3A_1 = arith.constant 512 : i32
    %mul3A_2 = arith.muli %add3A, %mul3A_1 : i32
    %mul3A_3 = arith.constant 1024 : i32
    %mul3A_4 = arith.muli %mul3A_2, %mul3A_3 : i32
    "tpu.region"() ({
      %run_scoped3A = tpu.sem_alloc : memref<!tpu.dma_semaphore, #tpu.memory_space<semaphore_mem>>
      tpu.enqueue_dma source(%arg3 : memref<16384xi32, #tpu.memory_space<hbm>>) target(%arg5 : memref<16384xi32, #tpu.memory_space<vmem>>) target_semaphore(%run_scoped3A : memref<!tpu.dma_semaphore, #tpu.memory_space<semaphore_mem>>)
      tpu.wait_dma2 semaphore(%run_scoped3A : memref<!tpu.dma_semaphore, #tpu.memory_space<semaphore_mem>>) src(%arg3 : memref<16384xi32, #tpu.memory_space<hbm>>) dst(%arg5 : memref<16384xi32, #tpu.memory_space<vmem>>)
      tpu.yield
    }) : () -> ()
    %scan3A = arith.constant 0 : i32
    %scan3A_5 = arith.constant 0 : i32
    %scan3A_6 = arith.constant 32 : i32
    %scan3A_7 = arith.addi %scan3A_5, %scan3A_6 : i32
    %scan3A_8 = arith.constant 1 : i32
    scf.for %scan3A_10 = %scan3A_5 to %scan3A_7 step %scan3A_8  : i32 {
      %mul3A_11 = arith.constant 16384 : i32
      %mul3A_12 = arith.muli %scan3A_10, %mul3A_11 : i32
      %add3A_13 = arith.addi %mul3A_4, %mul3A_12 : i32
      "tpu.region"() ({
        %run_scoped3A = tpu.sem_alloc : memref<!tpu.dma_semaphore, #tpu.memory_space<semaphore_mem>>
        %dma_start3A = tpu.memref_slice %arg2[%add3A_13] : memref<16777216xf32, #tpu.memory_space<hbm>> -> memref<16384xf32, #tpu.memory_space<hbm>>
        %dma_start3A_16 = tpu.memref_slice %arg2[%add3A_13] : memref<16777216xf32, #tpu.memory_space<hbm>> -> memref<16384xf32, #tpu.memory_space<hbm>>
        tpu.enqueue_dma source(%dma_start3A_16 : memref<16384xf32, #tpu.memory_space<hbm>>) target(%arg6 : memref<16384xf32, #tpu.memory_space<vmem>>) target_semaphore(%run_scoped3A : memref<!tpu.dma_semaphore, #tpu.memory_space<semaphore_mem>>)
        %dma_wait3A = tpu.memref_slice %arg2[%add3A_13] : memref<16777216xf32, #tpu.memory_space<hbm>> -> memref<16384xf32, #tpu.memory_space<hbm>>
        %dma_wait3A_17 = tpu.memref_slice %arg2[%add3A_13] : memref<16777216xf32, #tpu.memory_space<hbm>> -> memref<16384xf32, #tpu.memory_space<hbm>>
        tpu.wait_dma2 semaphore(%run_scoped3A : memref<!tpu.dma_semaphore, #tpu.memory_space<semaphore_mem>>) src(%dma_wait3A_17 : memref<16384xf32, #tpu.memory_space<hbm>>) dst(%arg6 : memref<16384xf32, #tpu.memory_space<vmem>>)
        tpu.yield
      }) : () -> ()
      %parallel_loop3A = arith.constant 0 : i32
      %parallel_loop3A_14 = arith.constant 1024 : i32
      %parallel_loop3A_15 = arith.constant 1 : i32
      scf.for %parallel_loop3A_16 = %parallel_loop3A to %parallel_loop3A_14 step %parallel_loop3A_15  : i32 {
        %parallel_loop3A_17 = arith.constant 16 : i32
        %parallel_loop3A_18 = arith.muli %parallel_loop3A_16, %parallel_loop3A_17 : i32
        %parallel_loop3A_19 = arith.index_cast %parallel_loop3A_18 : i32 to index
        %parallel_loop3A_20 = tpu.vector_load %arg5[%parallel_loop3A_19] {strides = array<i32>} : memref<16384xi32, #tpu.memory_space<vmem>>, vector<16xi32>,
        %parallel_loop3A_21 = tpu.vector_load_idx %arg6[%parallel_loop3A_20] : memref<16384xf32, #tpu.memory_space<vmem>>[vector<16xi32>], vector<16xf32>,
        %parallel_loop3A_22 = arith.constant 16 : i32
        %parallel_loop3A_23 = arith.muli %parallel_loop3A_16, %parallel_loop3A_22 : i32
        %parallel_loop3A_24 = arith.index_cast %parallel_loop3A_23 : i32 to index
        %parallel_loop3A_25 = tpu.vector_load %arg7[%parallel_loop3A_24] {strides = array<i32>} : memref<16384xf32, #tpu.memory_space<vmem>>, vector<16xf32>,
        tpu.vector_store %arg7[%parallel_loop3A_24], %parallel_loop3A_21 {strides = array<i32>} : memref<16384xf32, #tpu.memory_space<vmem>>, vector<16xf32>,
      } {sc.loop_unroll_factor = 8 : i64, sc.parallel_access}
      "tpu.region"() ({
        %run_scoped3A = tpu.sem_alloc : memref<!tpu.dma_semaphore, #tpu.memory_space<semaphore_mem>>
        %dma_start3A = tpu.memref_slice %arg4[%add3A_13] : memref<16777216xf32, #tpu.memory_space<hbm>> -> memref<16384xf32, #tpu.memory_space<hbm>>
        %dma_start3A_16 = tpu.memref_slice %arg4[%add3A_13] : memref<16777216xf32, #tpu.memory_space<hbm>> -> memref<16384xf32, #tpu.memory_space<hbm>>
        tpu.enqueue_dma source(%arg7 : memref<16384xf32, #tpu.memory_space<vmem>>) target(%dma_start3A_16 : memref<16384xf32, #tpu.memory_space<hbm>>) target_semaphore(%run_scoped3A : memref<!tpu.dma_semaphore, #tpu.memory_space<semaphore_mem>>)
        %dma_wait3A = tpu.memref_slice %arg4[%add3A_13] : memref<16777216xf32, #tpu.memory_space<hbm>> -> memref<16384xf32, #tpu.memory_space<hbm>>
        %dma_wait3A_17 = tpu.memref_slice %arg4[%add3A_13] : memref<16777216xf32, #tpu.memory_space<hbm>> -> memref<16384xf32, #tpu.memory_space<hbm>>
        tpu.wait_dma2 semaphore(%run_scoped3A : memref<!tpu.dma_semaphore, #tpu.memory_space<semaphore_mem>>) src(%arg7 : memref<16384xf32, #tpu.memory_space<vmem>>) dst(%dma_wait3A_17 : memref<16384xf32, #tpu.memory_space<hbm>>)
        tpu.yield
      }) : () -> ()
    }
    %scan3A_9 = arith.constant 32 : i32
    return
  }
}

</mosaic_0001>

<sc_bundles>
// kernel: kernel.3.cloned.1.call-start
scs
__scs_entry_jumppad:
0x0: {  	(pc) =	sbr.rel $0x88, $3  }
0x1: {  	(tag) =	ssettag $0x0;
	lr =	simm.s32 $0x1  }
0x2: {  	[smem:$0x3FA0] =	sst lr;
	_ =	strace $0xD0000000  }
0x3: {  	_ = 	snop  }
0x4: {  	_ = 	snop  }
0x5: {  	_ = 	snop  }
0x6: {  	_ = 	snop  }
0x7: {  	_ = 	snop  }
__scs_overlays_trampoline_lowered:
0x8: {  	[smem:$0x3FAF] =	sst s0  }
0x9: {  	[smem:$0x3FB0] =	sst s1  }
0xa: {  	[smem:$0x3FB1] =	sst s2  }
0xb: {  	[smem:$0x3FB2] =	sst s3  }
0xc: {  	[smem:$0x3FB3] =	sst s4  }
0xd: {  	[smem:$0x3FB4] =	sst s5  }
0xe: {  	[smem:$0x3FB5] =	sst s6  }
0xf: {  	[smem:$0x3FB6] =	sst s7  }
0x10: {  	[smem:$0x3FB7] =	sst s8  }
0x11: {  	[smem:$0x3FB8] =	sst s9;
	s0 =	simm.s32 @!p0 $0x0  }
0x12: {  	s1 =	sld [smem:$0x3F9E];
	s0 =	simm.s32 @p0 $0x1  }
0x13: {  	[smem:$0x3FB9] =	sst s0;
	s0 =	simm.s32 @!p1 $0x0  }
0x14: {  	s2 =	sld [smem:$0x3F9D];
	s0 =	simm.s32 @p1 $0x1  }
0x15: {  	[smem:$0x3FBA] =	sst s0;
	s0 =	simm.s32 @!p2 $0x0  }
0x16: {  	s3 =	sld [smem:$0x3FDB];
	s0 =	simm.s32 @p2 $0x1  }
0x17: {  	s4 =	simm.s32 $0x1BF5;
	[smem:$0x3FBC] =	sst s0  }
0x18: {  	s0 =	sld [smem:$0x3F9F];
	_ =	swait.ge [sflag:s4], $0x0  }
0x19: {  	s7 =	sld [smem:$0x3FA0]  }
0x1a: {  	s8 =	sadd.s32 $0xFFFFE003, lr  }
0x1b: {  	s9 =	sadd.s32 $0xFFFFFEF7, lr;
	s5 =	simm.s32 $0xFFFFFFFF;
	p2 =	slt.u32 s8, $0xFFFFF086  }
0x1c: {  	p1 =	slt.u32 s9, $0xF7A;
	s5 =	simm.s32 @!p2 $0x0  }
0x1d: {  	s5 =	simm.s32 @p1 $0x1;
	p0 =	seq.s32 s7, s2  }
0x1e: {  	s7 =	smul.u32 @!p0 $0xF7A, s2;
	p2 =	seq.s32 @!p0 s5, $0x0  }
0x1f: {  	s9 =	smul.u32 $0xF7A, s1;
	s8 =	simm.s32 @!p0 $0x1BF5;
	p2 =	por !p2, p0  }
0x20: {  	[sflag:s8] =	ssyncset.s32 @!p0 $0xFFFFF086;
	s6 =	sadd.s32 @!p0 s3, s7;
	s7 =	simm.s32 @!p0 $0x108  }
0x21: {  	s3 =	sadd.s32 s3, s9;
	s6 =	sadd.s32 @!p0 $0x88, s6;
	s7 =	simm.s32 @p2 $0x1082  }
0x22: {  	[simem:s7], [sflag:s8] =	dma.local @!p0 [hbm:s6], $0xF7A  }
0x23: {  	s9 =	sor.u32 $0xD0000000, s2;
	s6 =	simm.s32 $0x108;
	_ =	swait.ge @!p0 [sflag:s8], $0x0  }
0x24: {  	s3 =	sadd.s32 $0x88, s3;
	s6 =	simm.s32 @!p1 $0x1082;
	[sflag:s4] =	ssyncset.s32 $0xFFFFF086  }
0x25: {  	[simem:s6], [sflag:s4] =	dma.local [hbm:s3], $0xF7A  }
0x26: {  	[smem:$0x3FA0] =	sst s1;
	(tag) =	ssettag s2;
	_ =	strace s9  }
0x27: {  	s1 =	sld [smem:$0x3FB0]  }
0x28: {  	s2 =	sld [smem:$0x3FB1]  }
0x29: {  	s4 =	sld [smem:$0x3FB3]  }
0x2a: {  	p0 =	seq.s32 s5, $0x0;
	s5 =	sld [smem:$0x3FB4]  }
0x2b: {  	s6 =	sld [smem:$0x3FB5]  }
0x2c: {  	s7 =	sld [smem:$0x3FB6]  }
0x2d: {  	s3 =	simm.s32 $0x108;
	s8 =	sld [smem:$0x3FB7]  }
0x2e: {  	s3 =	simm.s32 @!p0 $0x1082;
	s9 =	sld [smem:$0x3FB8]  }
0x2f: {  	lr =	sadd.s32 s0, s3;
	s0 =	sld [smem:$0x3FAF]  }
0x30: {  	s3 =	sld [smem:$0x3FB2]  }
0x31: {  	[smem:$0x3FBB] =	sst s10  }
0x32: {  	s10 =	sld [smem:$0x3FB9];
	_ =	sdelay $0x3  }
0x33: {  	p0 =	seq.s32 s10, $0x1;
	s10 =	sld [smem:$0x3FBB];
	_ =	sdelay $0x3  }
0x34: {  	[smem:$0x3FBB] =	sst s10  }
0x35: {  	s10 =	sld [smem:$0x3FBA];
	_ =	sdelay $0x3  }
0x36: {  	p1 =	seq.s32 s10, $0x1;
	s10 =	sld [smem:$0x3FBB];
	_ =	sdelay $0x3  }
0x37: {  	[smem:$0x3FBB] =	sst s10  }
0x38: {  	s10 =	sld [smem:$0x3FBC]  }
0x39: {  	_ = 	snop;
	(pc) =	sbr.ind lr, $3  }
0x3a: {  	_ = 	snop  }
0x3b: {  	_ = 	snop  }
0x3c: {  	p2 =	seq.s32 s10, $0x1;
	s10 =	sld [smem:$0x3FBB]  }
0x3d: {  	_ =	shalt  }
0x3e: {  	_ =	shalt  }
0x3f: {  	_ =	shalt  }
0x40: {  	_ =	shalt  }
0x41: {  	_ =	shalt  }
0x42: {  	_ =	shalt  }
0x43: {  	_ =	shalt  }
0x44: {  	_ =	shalt  }
0x45: {  	_ =	shalt  }
0x46: {  	_ =	shalt  }
0x47: {  	_ =	shalt  }
0x48: {  	_ =	shalt  }
0x49: {  	_ =	shalt  }
0x4a: {  	_ =	shalt  }
0x4b: {  	_ =	shalt  }
0x4c: {  	_ =	shalt  }
0x4d: {  	_ =	shalt  }
0x4e: {  	_ =	shalt  }
0x4f: {  	_ =	shalt  }
0x50: {  	_ =	shalt  }
0x51: {  	_ =	shalt  }
0x52: {  	_ =	shalt  }
0x53: {  	_ =	shalt  }
0x54: {  	_ =	shalt  }
0x55: {  	_ =	shalt  }
0x56: {  	_ =	shalt  }
0x57: {  	_ =	shalt  }
0x58: {  	_ =	shalt  }
0x59: {  	_ =	shalt  }
0x5a: {  	_ =	shalt  }
0x5b: {  	_ =	shalt  }
0x5c: {  	_ =	shalt  }
0x5d: {  	_ =	shalt  }
0x5e: {  	_ =	shalt  }
0x5f: {  	_ =	shalt  }
0x60: {  	_ =	shalt  }
0x61: {  	_ =	shalt  }
0x62: {  	_ =	shalt  }
0x63: {  	_ =	shalt  }
0x64: {  	_ =	shalt  }
0x65: {  	_ =	shalt  }
0x66: {  	_ =	shalt  }
0x67: {  	_ =	shalt  }
0x68: {  	_ =	shalt  }
0x69: {  	_ =	shalt  }
0x6a: {  	_ =	shalt  }
0x6b: {  	_ =	shalt  }
0x6c: {  	_ =	shalt  }
0x6d: {  	_ =	shalt  }
0x6e: {  	_ =	shalt  }
0x6f: {  	_ =	shalt  }
0x70: {  	_ =	shalt  }
0x71: {  	_ =	shalt  }
0x72: {  	_ =	shalt  }
0x73: {  	_ =	shalt  }
0x74: {  	_ =	shalt  }
0x75: {  	_ =	shalt  }
0x76: {  	_ =	shalt  }
0x77: {  	_ =	shalt  }
0x78: {  	_ =	shalt  }
0x79: {  	_ =	shalt  }
0x7a: {  	_ =	shalt  }
0x7b: {  	_ =	shalt  }
0x7c: {  	_ =	shalt  }
0x7d: {  	_ =	shalt  }
0x7e: {  	_ =	shalt  }
0x7f: {  	_ =	shalt  }
0x80: {  	_ =	shalt  }
0x81: {  	_ =	shalt  }
0x82: {  	_ =	shalt  }
0x83: {  	_ =	shalt  }
0x84: {  	_ =	shalt  }
0x85: {  	_ =	shalt  }
0x86: {  	_ =	shalt  }
0x87: {  	_ =	shalt  }
.Lfunc_end0:
.L_simem_size_0:
called_computation.1_lowered:
.L_overlay_start_0:
0x88: {  	s2 =	sld [smem:$0x3FD9]  }
0x89: {  	s3 =	sld [smem:$0x3FFE];
	_ =	sdelay $0x1  }
0x8a: {  	s1 =	srdreg.scid  }
0x8b: {  	s0 =	sand.u32 $0x1, s1  }
0x8c: {  	s17 =	sshll.u32 s0, $0xA;
	s2 =	sadd.s32 s3, s2  }
0x8d: {  	s2 =	sadd.s32 s2, s17  }
0x8e: {  	[smem:$0x3FC7] =	sst s2  }
0x8f: {  	_ = 	snop  }
0x90: {  	s2 =	sld [smem:$0x3FD0];
	(tm) =	ssettm $0x1  }
0x91: {  	s18 =	sld [smem:$0x3FFB];
	_ =	sdelay $0x3  }
0x92: {  	_ =	strace s18  }
0x93: {  	s3 =	sld [smem:$0x3FFC];
	_ =	sdelay $0x3  }
0x94: {  	_ =	strace s3  }
0x95: {  	s3 =	sld [smem:$0x3FFD];
	_ =	sdelay $0x3  }
0x96: {  	_ =	strace s3  }
0x97: {  	_ =	strace $0x8FFFFFFF  }
0x98: {  	s19 =	sld [smem:$0x3FDB];
	_ =	sdelay $0x1  }
0x99: {  	s4 =	simm.s32 $_scs_section_size  }
0x9a: {  	s5 =	simm.s32 $_size__tile_overlayer_lowered;
	s6 =	simm.s32 $_tile_overlayer_lowered  }
0x9b: {  	s22 =	simm.s32 $0x1BFF;
	s21 =	sshll.u32 s6, $0x1;
	s3 =	sadd.s32 s4, s19  }
0x9c: {  	s7 =	simm.s32 $0x0;
	s20 =	sshll.u32 s5, $0x1;
	s5 =	sadd.s32 s21, s3  }
0x9d: {  	[timem:s7], [sflag:s22] =	dma.local [hbm:s5], s20  }
0x9e: {  	_ =	swait.ge [sflag:s22], s20  }
0x9f: {  	s4 =	ssub.s32 $0x0, s20;
	[sflag:s22] =	ssyncset.done $0x0  }
0xa0: {  	[sflag:s22] =	ssyncadd.s32 s4;
	_ =	sdelay $0x1  }
0xa1: {  	s23 =	simm.s32 $0x1B8B  }
0xa2: {  	_ =	swait.ge [sflag:s23], $0x1  }
0xa3: {  	[sflag:s23] =	ssyncset.done $0x0  }
0xa4: {  	s25 =	simm.s32 $0x1B8E;
	s24 =	sld [smem:$0x3FFE];
	[sflag:s23] =	ssyncadd.s32 $0xFFFFFFFF  }
0xa5: {  	s26 =	simm.s32 $execute0_lowered;
	[smem:$0x3FD2] =	sst s25  }
0xa6: {  	s5 =	sshll.u32 s26, $0x1;
	_ =	strace $0x80000046;
	[dreg:$0x1] =	wrdreg $0xFFFFFFFF  }
0xa7: {  	s28 =	simm.s32 $_size_execute0_lowered;
	s3 =	sadd.s32 s3, s5;
	[dreg:$0x0] =	wrdreg $0x0  }
0xa8: {  	s5 =	sshll.u32 s28, $0x1;
	[dreg:$0x2] =	wrdreg s3  }
0xa9: {  	[dreg:$0x3] =	wrdreg s5  }
0xaa: {  	[dreg:$0x4] =	wrdreg $0xC0  }
0xab: {  	_ =	task [dreg:s7], $0x5FFFF  }
0xac: {  	[dreg:$0x1] =	wrdreg $0xFFFFFFFF  }
0xad: {  	[dreg:$0x0] =	wrdreg $0x60  }
0xae: {  	[dreg:$0x2] =	wrdreg s2  }
0xaf: {  	[dreg:$0x3] =	wrdreg s24  }
0xb0: {  	[dreg:$0x4] =	wrdreg $0x9  }
0xb1: {  	_ =	task.clear_ibuf [dreg:s7], $0x5FFFF;
	_ =	strace $0x90000046  }
0xb2: {  	s29 =	simm.s32 $0x9;
	_ =	strace $0x80000048  }
0xb3: {  	_ =	swait.ge [sflag:s29], $0x1  }
0xb4: {  	[sflag:s29] =	ssyncadd.s32 $0xFFFFFFFF  }
0xb5: {  	_ =	strace $0x90000048  }
0xb6: {  	_ =	sfence  }
0xb7: {  	s30 =	sld [smem:$0x0];
	_ =	sdelay $0x2  }
0xb8: {  	s31 =	sshll.u32 s1, $0xD;
	s1 =	sshrl.u32 s1, $0x2  }
0xb9: {  	s3 =	sand.u32 $0x4000, s31;
	s1 =	sadd.s32 s1, s30  }
0xba: {  	s0 =	sor.u32 s3, s0;
	s1 =	sshll.u32 s1, $0x11  }
0xbb: {  	s0 =	sor.u32 s1, s0  }
0xbc: {  	s0 =	sadd.s32 $0x8F2B, s0  }
0xbd: {  	[sflag:s0] =	ssyncadd.remote.s32 $0x1  }
0xbe: {  	_ =	sfence.sel $0xFFFF  }
0xbf: {  	[dreg:$0x0] =	wrdreg $0xFFFFFFFF;
	(pc) =	sbr.abs _section_cstart, $3  }
0xc0: {  	[dreg:$0x1] =	wrdreg $0xFFFFFFFF  }
0xc1: {  	_ =	task.clear_ibuf [dreg:s7], $0x2FFFF;
	_ =	strace $0x9FFFFFFF  }
0xc2: {  	(tm) =	ssettm $0x7FFFFFFF  }
0xc3: {  	_ =	shalt  }
tec
execute0_lowered:
.L_overlay_start_1:
0x0: {  	(tag) =	ssettag $0x1  }
0x1: {  	s1 =	rddreg [dreg:$0x0]  }
0x2: {  	s3 =	rddreg [dreg:$0x1]  }
0x3: {  	s0 =	rddreg [dreg:$0x2];
	s2 =	simm.s32 $0x0  }
0x4: {  	s4 =	srdreg.scid;
	s9 =	simm.s32 $0x4000;
	s10 =	simm.s32 $0x8000  }
0x5: {  	s11 =	simm.s32 $0x0;
	[smem:$0x7FF] =	sst s2;
	s6 =	sand.u32 $0x1, s4  }
0x6: {  	s4 =	sadd.s32 $0x800, s3;
	s5 =	sadd.s32 $0x1000, s3;
	s7 =	ssub.s32 $0x2, s6  }
0x7: {  	s3 =	stileid.u32;
	_ =	strace $0x80000047;
	s8 =	sshrl.u32 s7, $0x1  }
0x8: {  	s31 =	sshll.u32 s3, $0x11;
	s6 =	sshll.u32 s6, $0x10;
	s7 =	ssub.s32 s7, s8  }
0x9: {  	s6 =	sor.u32 s6, s31;
	s8 =	simm.s32 $0x1;
	s7 =	smax.u32 s7, $0x1  }
.LBB2_1:
0xa: {  	[tilespmem:s2], [sflag:$0x1] =	stream.linear.gather [hbm4b:s4+s2], $0x4000, $0x38;
	[tilespmem:$0xC000] =	vst v63  }
0xb: {  	_ =	swait.ge [sflag:s8], $0x4000  }
0xc: {  	[sflag:s8] =	ssyncset.done $0x0  }
0xd: {  	s12 =	simm.s32 $0x0;
	[sflag:s8] =	ssyncadd.s32 $0xFFFFC000  }
.LBB2_2:
0xe: {  	s13 =	sshll.u32 s12, $0xB  }
0xf: {  	s13 =	sadd.s32 s6, s13  }
0x10: {  	s14 =	sadd.s32 s1, s13  }
0x11: {  	[tilespmem:s9], [sflag:$0x1] =	stream.linear.gather [hbm4b:s14+s2], $0x4000, $0x38;
	[tilespmem:$0xC000] =	vst v63  }
0x12: {  	_ =	swait.ge [sflag:s8], $0x4000  }
0x13: {  	[sflag:s8] =	ssyncset.done $0x0  }
0x14: {  	s31 =	simm.s32 $0x40;
	[sflag:s8] =	ssyncadd.s32 $0xFFFFC000  }
0x15: {  	v0 =	vld [tilespmem:s31+$0x30]  }
0x16: {  	v1 =	vld [tilespmem:s31+$0xFFFFFFD0]  }
0x17: {  	v2 =	vld [tilespmem:s31+$0xFFFFFFE0]  }
0x18: {  	v3 =	vld [tilespmem:s31+$0xFFFFFFF0]  }
0x19: {  	v4 =	vld [tilespmem:s31+$0x0]  }
0x1a: {  	v6 =	vld [tilespmem:s31+$0x10]  }
0x1b: {  	v7 =	vld [tilespmem:s31+$0x20]  }
0x1c: {  	v8 =	vld [tilespmem:s31+$0xFFFFFFC0]  }
0x1d: {  	v9 =	vld.idx.msk [tilespmem:v0+s9+$0x0], $0xffff  }
0x1e: {  	v10 =	vld.idx.msk [tilespmem:v1+s9+$0x0], $0xffff  }
0x1f: {  	v5 =	vld.idx.msk [tilespmem:v2+s9+$0x0], $0xffff  }
0x20: {  	v3 =	vld.idx.msk [tilespmem:v3+s9+$0x0], $0xffff  }
0x21: {  	v0 =	vld.idx.msk [tilespmem:v4+s9+$0x0], $0xffff  }
0x22: {  	s14 =	simm.s32 $0x8040;
	v1 =	vld.idx.msk [tilespmem:v6+s9+$0x0], $0xffff  }
0x23: {  	v2 =	vld.idx.msk [tilespmem:v7+s9+$0x0], $0xffff;
	[tilespmem:s14+$0x30] =	vst v9  }
0x24: {  	s15 =	simm.s32 $0x0;
	s16 =	simm.s32 $0xC0;
	v4 =	vld.idx.msk [tilespmem:v8+s9+$0x0], $0xffff;
	[tilespmem:s14+$0xFFFFFFD0] =	vst v10  }
.LBB2_3:
0x25: {  	v6 =	vld [tilespmem:s16+$0x30];
	s15 =	sadd.s32 $0x8, s15;
	[tilespmem:s14+$0xFFFFFFE0] =	vst v5  }
0x26: {  	v5 =	vld [tilespmem:s16+$0xFFFFFFD0];
	p0 =	slt.u32 s15, $0x3F8;
	[tilespmem:s14+$0xFFFFFFF0] =	vst v3  }
0x27: {  	v3 =	vld [tilespmem:s16+$0xFFFFFFE0];
	[tilespmem:s14+$0x0] =	vst v0  }
0x28: {  	v0 =	vld [tilespmem:s16+$0xFFFFFFF0];
	[tilespmem:s14+$0x10] =	vst v1  }
0x29: {  	v1 =	vld [tilespmem:s16+$0x0];
	[tilespmem:s14+$0x20] =	vst v2  }
0x2a: {  	v2 =	vld [tilespmem:s16+$0x10];
	[tilespmem:s14+$0xFFFFFFC0] =	vst v4  }
0x2b: {  	v4 =	vld [tilespmem:s16+$0x20]  }
0x2c: {  	v7 =	vld [tilespmem:s16+$0xFFFFFFC0]  }
0x2d: {  	v6 =	vld.idx.msk [tilespmem:v6+s9+$0x0], $0xffff  }
0x2e: {  	v8 =	vld.idx.msk [tilespmem:v5+s9+$0x0], $0xffff  }
0x2f: {  	v5 =	vld.idx.msk [tilespmem:v3+s9+$0x0], $0xffff  }
.Ltmp0:
0x30: {  	v3 =	vld.idx.msk [tilespmem:v0+s9+$0x0], $0xffff;
	(pc) =	sbr.rel @p0 .LBB2_3-.Ltmp0, $4  }
0x31: {  	v0 =	vld.idx.msk [tilespmem:v1+s9+$0x0], $0xffff  }
0x32: {  	s14 =	sadd.s32 $0x80, s14;
	v1 =	vld.idx.msk [tilespmem:v2+s9+$0x0], $0xffff  }
0x33: {  	v2 =	vld.idx.msk [tilespmem:v4+s9+$0x0], $0xffff;
	[tilespmem:s14+$0x30] =	vst v6  }
0x34: {  	s16 =	sadd.s32 $0x80, s16;
	v4 =	vld.idx.msk [tilespmem:v7+s9+$0x0], $0xffff;
	[tilespmem:s14+$0xFFFFFFD0] =	vst v8  }
0x35: {  	[tilespmem:s14+$0xFFFFFFE0] =	vst v5  }
0x36: {  	[tilespmem:s14+$0xFFFFFFF0] =	vst v3  }
0x37: {  	[tilespmem:s14+$0x0] =	vst v0  }
0x38: {  	s12 =	sadd.s32 $0x1, s12;
	[tilespmem:s14+$0x10] =	vst v1  }
0x39: {  	p0 =	sne.s32 s12, $0x20;
	[tilespmem:s14+$0x20] =	vst v2  }
.Ltmp1:
0x3a: {  	s13 =	sadd.s32 s5, s13;
	[tilespmem:s14+$0xFFFFFFC0] =	vst v4;
	(pc) =	sbr.rel @p0 .LBB2_2-.Ltmp1, $4  }
0x3b: {  	[hbm4b:s13+s2] =	stream.linear.scatter [tilespmem:s10], [sflag:$0x1], $0x4000, $0x38;
	[tilespmem:$0xC000] =	vst v63  }
0x3c: {  	_ =	swait.ge [sflag:s8], $0x4000  }
0x3d: {  	[sflag:s8] =	ssyncset.done $0x0  }
0x3e: {  	[sflag:s8] =	ssyncadd.s32 $0xFFFFC000  }
0x3f: {  	s11 =	sadd.s32 $0x1, s11  }
0x40: {  	p0 =	sne.s32 s11, s7  }
.Ltmp2:
0x41: {  	_ = 	snop;
	(pc) =	sbr.rel @p0 .LBB2_1-.Ltmp2, $1  }
0x42: {  	_ =	sdelay $0x3  }
0x43: {  	_ =	sfence.sel $0x180000  }
0x44: {  	[bflag:$0x0] =	sbarrier.arrive $0xFFFF  }
0x45: {  	p0 =	sne.s32 s3, $0x0;
	_ =	strace $0x90000047  }
0x46: {  	s0 =	sadd.s32 @!p0 $0x100000, s0;
	[bflag:$0x2] =	sbarrier.arrive $0xFFFF  }
0x47: {  	[sflag:s0] =	ssyncadd.tile.s32 @!p0 $0x1;
	_ =	shalt  }
.Lfunc_end2:
_tile_overlayer_lowered:
.L_overlay_start_2:
0x48: {  	(tag) =	ssettag $0x2  }
0x49: {  	s0 =	rddreg [dreg:$0x0];
	s2 =	stileid.u32  }
0x4a: {  	s1 =	rddreg [dreg:$0x1];
	p0 =	sne.s32 s2, $0x0  }
0x4b: {  	s3 =	rddreg [dreg:$0x2];
	[bflag:$0x3] =	sbarrier.arrive $0xFFFF;
	s2 =	simm.s32 @!p0 $0x1C01  }
0x4c: {  	[timem:s3], [sflag:s2] =	dma.local @!p0 [hbm:s0], s1  }
0x4d: {  	s0 =	simm.s32 @!p0 $0x1  }
0x4e: {  	_ =	swait.ge @!p0 [sflag:s0], s1  }
0x4f: {  	s1 =	ssub.s32 @!p0 $0x0, s1;
	[sflag:s0] =	ssyncset.done @!p0 $0x0  }
0x50: {  	[sflag:s0] =	ssyncadd.s32 @!p0 s1  }
0x51: {  	[bflag:$0x3] =	sbarrier.arrive $0xFFFF  }
0x52: {  	_ =	shalt  }

// kernel: sparse-core-data-format-call.cloned.1.call-start
scs
called_computation_lowered:
.L_overlay_start_0:
0x0: {  	s2 =	sld [smem:$0x3FD9]  }
0x1: {  	s3 =	sld [smem:$0x3FFE];
	_ =	sdelay $0x1  }
0x2: {  	s1 =	srdreg.scid  }
0x3: {  	s0 =	sand.u32 $0x1, s1  }
0x4: {  	s18 =	sshll.u32 s0, $0xA;
	s2 =	sadd.s32 s3, s2  }
0x5: {  	s2 =	sadd.s32 s2, s18  }
0x6: {  	[smem:$0x3FC7] =	sst s2  }
0x7: {  	_ = 	snop  }
0x8: {  	s2 =	sld [smem:$0x3FD0];
	(tm) =	ssettm $0x1  }
0x9: {  	s19 =	sld [smem:$0x3FFB];
	_ =	sdelay $0x3  }
0xa: {  	_ =	strace s19  }
0xb: {  	s3 =	sld [smem:$0x3FFC];
	_ =	sdelay $0x3  }
0xc: {  	_ =	strace s3  }
0xd: {  	s3 =	sld [smem:$0x3FFD];
	_ =	sdelay $0x3  }
0xe: {  	_ =	strace s3  }
0xf: {  	_ =	strace $0x8FFFFFFF  }
0x10: {  	s20 =	sld [smem:$0x3FDB];
	_ =	sdelay $0x1  }
0x11: {  	s4 =	simm.s32 $_scs_section_size  }
0x12: {  	s5 =	simm.s32 $_size__tile_overlayer_lowered;
	s6 =	simm.s32 $_tile_overlayer_lowered  }
0x13: {  	s23 =	simm.s32 $0x1BFF;
	s22 =	sshll.u32 s6, $0x1;
	s3 =	sadd.s32 s4, s20  }
0x14: {  	s7 =	simm.s32 $0x0;
	s21 =	sshll.u32 s5, $0x1;
	s5 =	sadd.s32 s22, s3  }
0x15: {  	[timem:s7], [sflag:s23] =	dma.local [hbm:s5], s21  }
0x16: {  	_ =	swait.ge [sflag:s23], s21  }
0x17: {  	s4 =	ssub.s32 $0x0, s21;
	[sflag:s23] =	ssyncset.done $0x0  }
0x18: {  	[sflag:s23] =	ssyncadd.s32 s4;
	_ =	sdelay $0x1  }
0x19: {  	s24 =	simm.s32 $0x1B8B  }
0x1a: {  	_ =	swait.ge [sflag:s24], $0x1  }
0x1b: {  	[sflag:s24] =	ssyncset.done $0x0  }
0x1c: {  	s26 =	simm.s32 $0x1B8E;
	s25 =	sld [smem:$0x3FFE];
	[sflag:s24] =	ssyncadd.s32 $0xFFFFFFFF  }
0x1d: {  	s27 =	simm.s32 $execute0_lowered;
	[smem:$0x3FD2] =	sst s26  }
0x1e: {  	s5 =	sshll.u32 s27, $0x1;
	_ =	strace $0x80000049;
	[dreg:$0x1] =	wrdreg $0xFFFFFFFF  }
0x1f: {  	s28 =	simm.s32 $_size_execute0_lowered;
	s3 =	sadd.s32 s3, s5;
	[dreg:$0x0] =	wrdreg $0x0  }
0x20: {  	s5 =	sshll.u32 s28, $0x1;
	[dreg:$0x2] =	wrdreg s3  }
0x21: {  	[dreg:$0x3] =	wrdreg s5  }
0x22: {  	[dreg:$0x4] =	wrdreg $0xC0  }
0x23: {  	_ =	task [dreg:s7], $0x5FFFF  }
0x24: {  	[dreg:$0x1] =	wrdreg $0xFFFFFFFF  }
0x25: {  	[dreg:$0x0] =	wrdreg $0x60  }
0x26: {  	[dreg:$0x2] =	wrdreg s25  }
0x27: {  	[dreg:$0x3] =	wrdreg s2  }
0x28: {  	[dreg:$0x4] =	wrdreg $0x9  }
0x29: {  	_ =	task.clear_ibuf [dreg:s7], $0x5FFFF;
	_ =	strace $0x90000049  }
0x2a: {  	s29 =	simm.s32 $0x9;
	_ =	strace $0x8000004B  }
0x2b: {  	_ =	swait.ge [sflag:s29], $0x1  }
0x2c: {  	[sflag:s29] =	ssyncadd.s32 $0xFFFFFFFF  }
0x2d: {  	_ =	strace $0x9000004B  }
0x2e: {  	_ =	sfence  }
0x2f: {  	s30 =	sld [smem:$0x0];
	_ =	sdelay $0x2  }
0x30: {  	s31 =	sshll.u32 s1, $0xD;
	s1 =	sshrl.u32 s1, $0x2  }
0x31: {  	s3 =	sand.u32 $0x4000, s31;
	s1 =	sadd.s32 s1, s30  }
0x32: {  	s0 =	sor.u32 s3, s0;
	s1 =	sshll.u32 s1, $0x11  }
0x33: {  	s0 =	sor.u32 s1, s0  }
0x34: {  	s0 =	sadd.s32 $0x8F2B, s0  }
0x35: {  	[sflag:s0] =	ssyncadd.remote.s32 $0x1  }
0x36: {  	_ =	sfence.sel $0xFFFF  }
0x37: {  	[dreg:$0x0] =	wrdreg $0xFFFFFFFF;
	(pc) =	sbr.abs _section_cstart, $3  }
0x38: {  	[dreg:$0x1] =	wrdreg $0xFFFFFFFF  }
0x39: {  	_ =	task.clear_ibuf [dreg:s7], $0x2FFFF;
	_ =	strace $0x9FFFFFFF  }
0x3a: {  	(tm) =	ssettm $0x7FFFFFFF  }
0x3b: {  	_ =	shalt  }
tec
execute0_lowered:
.L_overlay_start_1:
0x0: {  	(tag) =	ssettag $0x1  }
0x1: {  	s0 =	srdreg.scid  }
0x2: {  	s1 =	sshll.u32 s0, $0x4  }
0x3: {  	s6 =	rddreg [dreg:$0x0];
	s0 =	stileid.u32;
	s1 =	sand.u32 $0x10, s1  }
0x4: {  	s3 =	rddreg [dreg:$0x1];
	s5 =	simm.s32 $0x1;
	s1 =	sor.u32 s0, s1  }
0x5: {  	s31 =	simm.s32 $0x2;
	s12 =	simm.s32 $0x0;
	s2 =	sshll.u32 s1, $0x7  }
0x6: {  	s8 =	simm.s32 $0x20000;
	s13 =	simm.s32 $0x0;
	s4 =	ssub.s32 $0x4000, s2  }
0x7: {  	s9 =	simm.s32 $0x0;
	s11 =	simm.s32 $0x0;
	s30 =	sand.u32 $0xF80, s4  }
.Ltmp0:
0x8: {  	s6 =	sadd.s32 $0x201000, s6;
	p0 =	sne.s32 s30, $0x0;
	(pc) =	sbr.rel .LBB1_1-.Ltmp0, $4  }
0x9: {  	s1 =	rddreg [dreg:$0x2];
	s7 =	sshrl.u32 s4, $0xC;
	s5 =	simm.s32 @!p0 $0x0  }
0xa: {  	_ =	strace $0x8000004A;
	s4 =	simm.s32 $0x1;
	s5 =	sadd.s32 s5, s7  }
0xb: {  	s10 =	smov.u32 s2;
	[sflag:s4] =	ssyncpa.u1 $0x0;
	s5 =	sshll.u32 s5, $0x5  }
0xc: {  	[sflag:s31] =	ssyncpa.u1 $0x0;
	p0 =	por $0x0, $0x0;
	s7 =	sor.u32 $0x1, s5  }
.LBB1_4:
0xd: {  	s16 =	sshll.u32 s13, $0x3;
	s17 =	sand.u32 $0x78, s13  }
0xe: {  	s30 =	sand.u32 $0xF800, s13;
	s12 =	sshll.u32 s12, $0x10;
	s16 =	sand.u32 $0x3C00, s16  }
0xf: {  	s31 =	sand.u32 $0x7, s13;
	s16 =	sor.u32 s17, s16;
	s17 =	sadd.s32 s3, s30  }
0x10: {  	s13 =	sshll.u32 s31, $0x12;
	s16 =	sshrl.u32 s16, $0x3;
	s12 =	sadd.s32 s12, s17  }
0x11: {  	[tilespmem:s15+$0x0 ss:$0x81] =	vst.msk $0xffff, v0;
	s13 =	sor.u32 $0x400, s13;
	s12 =	sadd.s32 s16, s12  }
0x12: {  	[hbm4b:s12+s13] =	stream.strided.scatter [tilespmem:s14], [sflag:$0x2], $0x1000, s8, s13, $0x20;
	[tilespmem:$0x4040] =	vst v63  }
.LBB1_5:
0x13: {  	s14 =	sadd.s32 $0x1, s9  }
0x14: {  	s12 =	sadd.s32 $0x1000, s10;
	s16 =	smov.u32 s10;
	p2 =	sgt.s32 s14, $0x1F  }
0x15: {  	s16 =	smov.u32 @p2 s12  }
0x16: {  	s14 =	simm.s32 @p2 $0x0;
	p2 =	sgt.s32 s16, $0x3FFF  }
0x17: {  	s16 =	smov.u32 @p2 s2;
	p2 =	sne.s32 s11, s7  }
.Ltmp1:
0x18: {  	p1 =	slt.u32 s11, $0x2;
	(pc) =	sbr.rel @!p2 .LBB1_6-.Ltmp1, $4  }
0x19: {  	s15 =	simm.s32 @!p1 $0x2  }
0x1a: {  	s13 =	smov.u32 s10;
	p0 =	por !p0, !p0;
	_ =	swait.ge @!p1 [sflag:s15], $0x1000  }
0x1b: {  	s12 =	smov.u32 s9;
	[sflag:s15] =	ssyncset.done @!p1 $0x0;
	s9 =	smov.u32 s14  }
0x1c: {  	s11 =	sadd.s32 $0x1, s11;
	[sflag:s15] =	ssyncadd.s32 @!p1 $0xFFFFF000;
	s10 =	smov.u32 s16  }
.LBB1_1:
0x1d: {  	p1 =	sge.u32 s11, s5  }
0x1e: {  	s31 =	sadd.s32 $0xFFFFFFFF, s11;
	s14 =	sxor.u32 @!p1 $0xFFFFFFFF, s11  }
0x1f: {  	s15 =	sshll.u32 @!p1 s10, $0x9;
	s16 =	sshll.u32 @!p1 s9, $0x4;
	s17 =	simm.s32 @!p1 $0x1000  }
0x20: {  	s14 =	sshll.u32 @!p1 s14, $0xC;
	s16 =	sand.u32 @!p1 $0x1F0, s16;
	s15 =	sadd.s32 @!p1 s6, s15  }
0x21: {  	s14 =	sand.u32 @!p1 $0x1000, s14;
	s15 =	sadd.s32 @!p1 s16, s15;
	s16 =	simm.s32 @!p1 $0x20  }
0x22: {  	[tilespmem:s14], [sflag:$0x1] =	stream.strided.gather @!p1 [hbm4b:s15+s16], $0x1000, s17, s16, $0x38;
	[tilespmem:$0x4040] =	vst v63  }
0x23: {  	p1 =	sge.u32 s31, s5  }
.Ltmp2:
0x24: {  	_ = 	snop;
	(pc) =	sbr.rel @p1 .LBB1_5-.Ltmp2, $1  }
0x25: {  	_ =	sdelay $0x3  }
0x26: {  	s14 =	simm.s32 $0x1  }
0x27: {  	_ =	swait.ge [sflag:s4], $0x1000;
	s14 =	simm.s32 @!p0 $0x0  }
0x28: {  	[sflag:s4] =	ssyncset.done $0x0;
	s15 =	sshll.u32 s14, $0xC  }
0x29: {  	[sflag:s4] =	ssyncadd.s32 $0xFFFFF000;
	s18 =	sor.u32 $0x10, s15  }
0x2a: {  	s14 =	smul.u32 $0x4080, s14;
	v1 =	vld [tilespmem:s18+$0x0]  }
0x2b: {  	s30 =	sand.u32 $0x1, s11;
	v0 =	vld [tilespmem:s18+$0xFFFFFFF0]  }
0x2c: {  	s15 =	smul.u32 $0x4080, s30;
	s14 =	sshrl.u32 s14, $0x2  }
0x2d: {  	s16 =	sor.u32 $0x2000, s14  }
0x2e: {  	s31 =	sshrl.u32 s15, $0x2;
	s15 =	sadd.s32 $0x0, s16  }
0x2f: {  	s17 =	simm.s32 $0x4;
	s18 =	sadd.s32 $0x20, s18;
	s14 =	sor.u32 $0x2000, s31;
	[tilespmem:s15+$0x810 ss:$0x81] =	vst.msk $0xffff, v1  }
.LBB1_3:
0x30: {  	v1 =	vld [tilespmem:s18+$0x0];
	p1 =	sne.s32 s17, $0x1FC;
	[tilespmem:s15+$0x0 ss:$0x81] =	vst.msk $0xffff, v0;
	s15 =	smov.u32 s17;
	s17 =	sadd.s32 $0x4, s17  }
.Ltmp3:
0x31: {  	v0 =	vld [tilespmem:s18+$0xFFFFFFF0];
	(pc) =	sbr.rel @p1 .LBB1_3-.Ltmp3, $4  }
0x32: {  	_ = 	snop  }
0x33: {  	s15 =	sshra.s32 s15, $0x2  }
0x34: {  	s15 =	sadd.s32 s15, s16  }
0x35: {  	s18 =	sadd.s32 $0x20, s18;
	[tilespmem:s15+$0x810 ss:$0x81] =	vst.msk $0xffff, v1  }
.Ltmp4:
0x36: {  	_ = 	snop;
	(pc) =	sbr.rel .LBB1_4-.Ltmp4, $1  }
0x37: {  	_ =	sdelay $0x3  }
.LBB1_6:
0x38: {  	_ =	sfence.sel $0x180000  }
0x39: {  	s2 =	simm.s32 $0x1;
	[bflag:$0x0] =	sbarrier.arrive $0xFFFF  }
0x3a: {  	s31 =	simm.s32 $0x2;
	[sflag:s2] =	ssyncpa.u1 $0x1  }
0x3b: {  	[sflag:s31] =	ssyncpa.u1 $0x1  }
0x3c: {  	p0 =	sne.s32 s0, $0x0;
	_ =	strace $0x9000004A  }
0x3d: {  	s0 =	sadd.s32 @!p0 $0x100000, s1;
	[bflag:$0x2] =	sbarrier.arrive $0xFFFF  }
0x3e: {  	[sflag:s0] =	ssyncadd.tile.s32 @!p0 $0x1;
	_ =	shalt  }
.Lfunc_end1:
_tile_overlayer_lowered:
.L_overlay_start_2:
0x3f: {  	(tag) =	ssettag $0x2  }
0x40: {  	s0 =	rddreg [dreg:$0x0];
	s2 =	stileid.u32  }
0x41: {  	s1 =	rddreg [dreg:$0x1];
	p0 =	sne.s32 s2, $0x0  }
0x42: {  	s3 =	rddreg [dreg:$0x2];
	[bflag:$0x3] =	sbarrier.arrive $0xFFFF;
	s2 =	simm.s32 @!p0 $0x1C01  }
0x43: {  	[timem:s3], [sflag:s2] =	dma.local @!p0 [hbm:s0], s1  }
0x44: {  	s0 =	simm.s32 @!p0 $0x1  }
0x45: {  	_ =	swait.ge @!p0 [sflag:s0], s1  }
0x46: {  	s1 =	ssub.s32 @!p0 $0x0, s1;
	[sflag:s0] =	ssyncset.done @!p0 $0x0  }
0x47: {  	[sflag:s0] =	ssyncadd.s32 @!p0 s1  }
0x48: {  	[bflag:$0x3] =	sbarrier.arrive $0xFFFF  }
0x49: {  	_ =	shalt  }

</sc_bundles>
